<compile_context>
chip_gen: v7x
topology: tpu7x:2x2x1
jax: 0.10.2.dev20260603
libtpu: 0.0.44.dev20260713+nightly
codegen_flags: <defaults>
</compile_context>

<pallas_src>
import jax
import jax.numpy as jnp
from jax import lax
from jax.experimental import pallas as pl
from jax.experimental.pallas import tpu as pltpu
from jax.experimental.pallas import tpu_sc as plsc

_B = 16384
_L = 16
_NC = 1
_NS = 8
_NW = _NC * _NS
_BPW = _B // _NW

_N_LOC = 100
_N_GRP = 26


def _sc_body(loc_hbm, l2g_hbm, thc_hbm, thg_hbm, tbg_hbm,
             thc_out, thg_out, tbg_out,
             loc_v, l2g_v, thc_v, thg_v, tbg_v,
             othc_v, othg_v, otbg_v, sem):
    wid = lax.axis_index("s") * _NC + lax.axis_index("c")
    base = wid * _BPW
    cps = [
        pltpu.async_copy(loc_hbm.at[pl.ds(base, _BPW)], loc_v, sem),
        pltpu.async_copy(l2g_hbm, l2g_v, sem),
        pltpu.async_copy(thc_hbm, thc_v, sem),
        pltpu.async_copy(thg_hbm, thg_v, sem),
        pltpu.async_copy(tbg_hbm, tbg_v, sem),
    ]
    for cp in cps:
        cp.wait()

    @plsc.parallel_loop(0, _BPW // _L, unroll=4)
    def _(i):
        sl = pl.ds(i * _L, _L)
        lv = loc_v[sl]
        g = plsc.load_gather(l2g_v, [lv])
        a = plsc.load_gather(thc_v, [g])
        b = plsc.load_gather(thg_v, [g])
        c = plsc.load_gather(tbg_v, [g])
        othc_v[sl] = jnp.maximum(a, 0.0)
        othg_v[sl] = jnp.maximum(b, 0.0)
        otbg_v[sl] = jnp.maximum(c, 0.0) * 20.0

    outs = [
        pltpu.async_copy(othc_v, thc_out.at[pl.ds(base, _BPW)], sem),
        pltpu.async_copy(othg_v, thg_out.at[pl.ds(base, _BPW)], sem),
        pltpu.async_copy(otbg_v, tbg_out.at[pl.ds(base, _BPW)], sem),
    ]
    for cp in outs:
        cp.wait()


def kernel(location, loc_to_group, thc_params, thg_params, tbg_params):
    f = pl.kernel(
        _sc_body,
        out_type=[jax.ShapeDtypeStruct((_B,), jnp.float32)] * 3,
        mesh=plsc.VectorSubcoreMesh(core_axis_name="c", subcore_axis_name="s",
                                    num_cores=_NC, num_subcores=_NS),
        compiler_params=pltpu.CompilerParams(needs_layout_passes=False),
        scratch_types=[
            pltpu.VMEM((_BPW,), jnp.int32),
            pltpu.VMEM((_N_LOC,), jnp.int32),
            pltpu.VMEM((_N_GRP,), jnp.float32),
            pltpu.VMEM((_N_GRP,), jnp.float32),
            pltpu.VMEM((_N_GRP,), jnp.float32),
            pltpu.VMEM((_BPW,), jnp.float32),
            pltpu.VMEM((_BPW,), jnp.float32),
            pltpu.VMEM((_BPW,), jnp.float32),
            pltpu.SemaphoreType.DMA,
        ],
    )
    thc_o, thg_o, tbg_o = f(location, loc_to_group, thc_params, thg_params,
                            tbg_params)
    return (thc_o.reshape(-1, 1), thg_o.reshape(-1, 1), tbg_o.reshape(-1, 1))

# --- scband reference (transcript-rebuilt; emitter-appended) ---
"""Pipeline reference for scband-accumulation-parameter-mapping-1047972020821 (READ-ONLY COPY).

The authoritative reference and input builder live on the scoring server;
editing this copy changes nothing except your own understanding.
"""

import jax, jax.numpy as jnp
import numpy as np

N_LOCATIONS = 100
N_GROUPS = 26
BATCH = 16384


def _modified_relu(x):
    # F.relu(x) + 1 * (x - x.detach()) : straight-through ReLU
    return jax.nn.relu(x) + (x - jax.lax.stop_gradient(x))


def setup_inputs(seed: int = 0) -> dict:
    key = jax.random.key(seed)
    k1, k2, k3, k4 = jax.random.split(key, 4)
    location = jax.random.randint(k1, (BATCH,), 0, N_LOCATIONS, dtype=jnp.int32)
    # location -> group mapping, matching init_kwargs location_groups (loc % 26)
    loc_to_group = (jnp.arange(N_LOCATIONS, dtype=jnp.int32) % N_GROUPS).astype(jnp.int32)
    # learned scalar parameters, one per group, for each of the three maps
    thc_params = jax.random.normal(k2, (N_GROUPS,), dtype=jnp.float32) * 0.1
    thg_params = jax.random.normal(k3, (N_GROUPS,), dtype=jnp.float32) * 0.1
    tbg_params = jax.random.normal(k4, (N_GROUPS,), dtype=jnp.float32) * 0.1
    return {
        "location": location,
        "loc_to_group": loc_to_group,
        "thc_params": thc_params,
        "thg_params": thg_params,
        "tbg_params": tbg_params,
    }


def reference(location, loc_to_group, thc_params, thg_params, tbg_params):
    # ParameterMapping.forward: gather per-location group parameter -> [B, 1]
    group_ix = jnp.take(loc_to_group, location, axis=0)  # [B]
    thc = jnp.take(thc_params, group_ix, axis=0).reshape(-1, 1)
    thg = jnp.take(thg_params, group_ix, axis=0).reshape(-1, 1)
    tbg = jnp.take(tbg_params, group_ix, axis=0).reshape(-1, 1)
    # AccumulationParameterMapping._scale_param
    thc = _modified_relu(thc) * 1.0
    thg = _modified_relu(thg) * 1.0
    tbg = _modified_relu(tbg) * 20.0
    return (thc, thg, tbg)

if __name__ == "__main__":
    import jax
    _d = setup_inputs()
    print(jax.jit(kernel)(*tuple(_d.values())))

</pallas_src>

<mosaic_0001>
#map = affine_map<(d0, d1) -> (0)>
module attributes {stable_mosaic.version = 14 : i64} {
  func.func @_sc_body(%arg0: i32, %arg1: i32, %arg2: memref<16384xi32, #tpu.memory_space<hbm>>, %arg3: memref<100xi32, #tpu.memory_space<hbm>>, %arg4: memref<26xf32, #tpu.memory_space<hbm>>, %arg5: memref<26xf32, #tpu.memory_space<hbm>>, %arg6: memref<26xf32, #tpu.memory_space<hbm>>, %arg7: memref<16384xf32, #tpu.memory_space<hbm>>, %arg8: memref<16384xf32, #tpu.memory_space<hbm>>, %arg9: memref<16384xf32, #tpu.memory_space<hbm>>, %arg10: memref<2048xi32, #tpu.memory_space<vmem>>, %arg11: memref<100xi32, #tpu.memory_space<vmem>>, %arg12: memref<26xf32, #tpu.memory_space<vmem>>, %arg13: memref<26xf32, #tpu.memory_space<vmem>>, %arg14: memref<26xf32, #tpu.memory_space<vmem>>, %arg15: memref<2048xf32, #tpu.memory_space<vmem>>, %arg16: memref<2048xf32, #tpu.memory_space<vmem>>, %arg17: memref<2048xf32, #tpu.memory_space<vmem>>, %arg18: memref<!tpu.dma_semaphore, #tpu.memory_space<semaphore_mem>>) attributes {dimension_semantics = [#tpu.dimension_semantics<core_parallel>, #tpu.dimension_semantics<subcore_parallel>], iteration_bounds = array<i64: 1, 8>, scalar_prefetch = 0 : i64, scratch_operands = 9 : i64, tpu.core_type = #tpu.core_type<sc_vector_subcore>, window_params = [{transform_indices = #map}, {transform_indices = #map}, {transform_indices = #map}, {transform_indices = #map}, {transform_indices = #map}, {transform_indices = #map}, {transform_indices = #map}, {transform_indices = #map}]} {
    %mul3A = arith.constant 1 : i32
    %mul3A_0 = arith.muli %arg1, %mul3A : i32
    %add3A = arith.addi %mul3A_0, %arg0 : i32
    %mul3A_1 = arith.constant 2048 : i32
    %mul3A_2 = arith.muli %add3A, %mul3A_1 : i32
    %dma_start3A = tpu.memref_slice %arg2[%mul3A_2] : memref<16384xi32, #tpu.memory_space<hbm>> -> memref<2048xi32, #tpu.memory_space<hbm>>
    %dma_start3A_3 = tpu.memref_slice %arg2[%mul3A_2] : memref<16384xi32, #tpu.memory_space<hbm>> -> memref<2048xi32, #tpu.memory_space<hbm>>
    tpu.enqueue_dma source(%dma_start3A_3 : memref<2048xi32, #tpu.memory_space<hbm>>) target(%arg10 : memref<2048xi32, #tpu.memory_space<vmem>>) target_semaphore(%arg18 : memref<!tpu.dma_semaphore, #tpu.memory_space<semaphore_mem>>)
    tpu.enqueue_dma source(%arg3 : memref<100xi32, #tpu.memory_space<hbm>>) target(%arg11 : memref<100xi32, #tpu.memory_space<vmem>>) target_semaphore(%arg18 : memref<!tpu.dma_semaphore, #tpu.memory_space<semaphore_mem>>)
    tpu.enqueue_dma source(%arg4 : memref<26xf32, #tpu.memory_space<hbm>>) target(%arg12 : memref<26xf32, #tpu.memory_space<vmem>>) target_semaphore(%arg18 : memref<!tpu.dma_semaphore, #tpu.memory_space<semaphore_mem>>)
    tpu.enqueue_dma source(%arg5 : memref<26xf32, #tpu.memory_space<hbm>>) target(%arg13 : memref<26xf32, #tpu.memory_space<vmem>>) target_semaphore(%arg18 : memref<!tpu.dma_semaphore, #tpu.memory_space<semaphore_mem>>)
    tpu.enqueue_dma source(%arg6 : memref<26xf32, #tpu.memory_space<hbm>>) target(%arg14 : memref<26xf32, #tpu.memory_space<vmem>>) target_semaphore(%arg18 : memref<!tpu.dma_semaphore, #tpu.memory_space<semaphore_mem>>)
    %dma_wait3A = tpu.memref_slice %arg2[%mul3A_2] : memref<16384xi32, #tpu.memory_space<hbm>> -> memref<2048xi32, #tpu.memory_space<hbm>>
    %dma_wait3A_4 = tpu.memref_slice %arg2[%mul3A_2] : memref<16384xi32, #tpu.memory_space<hbm>> -> memref<2048xi32, #tpu.memory_space<hbm>>
    tpu.wait_dma2 semaphore(%arg18 : memref<!tpu.dma_semaphore, #tpu.memory_space<semaphore_mem>>) src(%dma_wait3A_4 : memref<2048xi32, #tpu.memory_space<hbm>>) dst(%arg10 : memref<2048xi32, #tpu.memory_space<vmem>>)
    tpu.wait_dma2 semaphore(%arg18 : memref<!tpu.dma_semaphore, #tpu.memory_space<semaphore_mem>>) src(%arg3 : memref<100xi32, #tpu.memory_space<hbm>>) dst(%arg11 : memref<100xi32, #tpu.memory_space<vmem>>)
    tpu.wait_dma2 semaphore(%arg18 : memref<!tpu.dma_semaphore, #tpu.memory_space<semaphore_mem>>) src(%arg4 : memref<26xf32, #tpu.memory_space<hbm>>) dst(%arg12 : memref<26xf32, #tpu.memory_space<vmem>>)
    tpu.wait_dma2 semaphore(%arg18 : memref<!tpu.dma_semaphore, #tpu.memory_space<semaphore_mem>>) src(%arg5 : memref<26xf32, #tpu.memory_space<hbm>>) dst(%arg13 : memref<26xf32, #tpu.memory_space<vmem>>)
    tpu.wait_dma2 semaphore(%arg18 : memref<!tpu.dma_semaphore, #tpu.memory_space<semaphore_mem>>) src(%arg6 : memref<26xf32, #tpu.memory_space<hbm>>) dst(%arg14 : memref<26xf32, #tpu.memory_space<vmem>>)
    %parallel_loop3A = arith.constant 0 : i32
    %parallel_loop3A_5 = arith.constant 128 : i32
    %parallel_loop3A_6 = arith.constant 1 : i32
    scf.for %parallel_loop3A_19 = %parallel_loop3A to %parallel_loop3A_5 step %parallel_loop3A_6  : i32 {
      %parallel_loop3A_20 = arith.constant 16 : i32
      %parallel_loop3A_21 = arith.muli %parallel_loop3A_19, %parallel_loop3A_20 : i32
      %parallel_loop3A_22 = arith.index_cast %parallel_loop3A_21 : i32 to index
      %parallel_loop3A_23 = tpu.vector_load %arg10[%parallel_loop3A_22] {strides = array<i32>} : memref<2048xi32, #tpu.memory_space<vmem>>, vector<16xi32>,
      %parallel_loop3A_24 = tpu.vector_load_idx %arg11[%parallel_loop3A_23] : memref<100xi32, #tpu.memory_space<vmem>>[vector<16xi32>], vector<16xi32>,
      %parallel_loop3A_25 = tpu.vector_load_idx %arg12[%parallel_loop3A_24] : memref<26xf32, #tpu.memory_space<vmem>>[vector<16xi32>], vector<16xf32>,
      %parallel_loop3A_26 = tpu.vector_load_idx %arg13[%parallel_loop3A_24] : memref<26xf32, #tpu.memory_space<vmem>>[vector<16xi32>], vector<16xf32>,
      %parallel_loop3A_27 = tpu.vector_load_idx %arg14[%parallel_loop3A_24] : memref<26xf32, #tpu.memory_space<vmem>>[vector<16xi32>], vector<16xf32>,
      %parallel_loop3A_28 = arith.constant 0.000000e+00 : f32
      %parallel_loop3A_29 = vector.broadcast %parallel_loop3A_28 : f32 to vector<16xf32>
      %parallel_loop3A_30 = arith.maximumf %parallel_loop3A_25, %parallel_loop3A_29 : vector<16xf32>
      %parallel_loop3A_31 = arith.index_cast %parallel_loop3A_21 : i32 to index
      %parallel_loop3A_32 = tpu.vector_load %arg15[%parallel_loop3A_31] {strides = array<i32>} : memref<2048xf32, #tpu.memory_space<vmem>>, vector<16xf32>,
      tpu.vector_store %arg15[%parallel_loop3A_31], %parallel_loop3A_30 {strides = array<i32>} : memref<2048xf32, #tpu.memory_space<vmem>>, vector<16xf32>,
      %parallel_loop3A_33 = arith.constant 0.000000e+00 : f32
      %parallel_loop3A_34 = vector.broadcast %parallel_loop3A_33 : f32 to vector<16xf32>
      %parallel_loop3A_35 = arith.maximumf %parallel_loop3A_26, %parallel_loop3A_34 : vector<16xf32>
      %parallel_loop3A_36 = arith.index_cast %parallel_loop3A_21 : i32 to index
      %parallel_loop3A_37 = tpu.vector_load %arg16[%parallel_loop3A_36] {strides = array<i32>} : memref<2048xf32, #tpu.memory_space<vmem>>, vector<16xf32>,
      tpu.vector_store %arg16[%parallel_loop3A_36], %parallel_loop3A_35 {strides = array<i32>} : memref<2048xf32, #tpu.memory_space<vmem>>, vector<16xf32>,
      %parallel_loop3A_38 = arith.constant 0.000000e+00 : f32
      %parallel_loop3A_39 = vector.broadcast %parallel_loop3A_38 : f32 to vector<16xf32>
      %parallel_loop3A_40 = arith.maximumf %parallel_loop3A_27, %parallel_loop3A_39 : vector<16xf32>
      %parallel_loop3A_41 = arith.constant 2.000000e+01 : f32
      %parallel_loop3A_42 = vector.broadcast %parallel_loop3A_41 : f32 to vector<16xf32>
      %parallel_loop3A_43 = arith.mulf %parallel_loop3A_40, %parallel_loop3A_42 : vector<16xf32>
      %parallel_loop3A_44 = arith.index_cast %parallel_loop3A_21 : i32 to index
      %parallel_loop3A_45 = tpu.vector_load %arg17[%parallel_loop3A_44] {strides = array<i32>} : memref<2048xf32, #tpu.memory_space<vmem>>, vector<16xf32>,
      tpu.vector_store %arg17[%parallel_loop3A_44], %parallel_loop3A_43 {strides = array<i32>} : memref<2048xf32, #tpu.memory_space<vmem>>, vector<16xf32>,
    } {sc.loop_unroll_factor = 4 : i64, sc.parallel_access}
    %dma_start3A_7 = tpu.memref_slice %arg7[%mul3A_2] : memref<16384xf32, #tpu.memory_space<hbm>> -> memref<2048xf32, #tpu.memory_space<hbm>>
    %dma_start3A_8 = tpu.memref_slice %arg7[%mul3A_2] : memref<16384xf32, #tpu.memory_space<hbm>> -> memref<2048xf32, #tpu.memory_space<hbm>>
    tpu.enqueue_dma source(%arg15 : memref<2048xf32, #tpu.memory_space<vmem>>) target(%dma_start3A_8 : memref<2048xf32, #tpu.memory_space<hbm>>) target_semaphore(%arg18 : memref<!tpu.dma_semaphore, #tpu.memory_space<semaphore_mem>>)
    %dma_start3A_9 = tpu.memref_slice %arg8[%mul3A_2] : memref<16384xf32, #tpu.memory_space<hbm>> -> memref<2048xf32, #tpu.memory_space<hbm>>
    %dma_start3A_10 = tpu.memref_slice %arg8[%mul3A_2] : memref<16384xf32, #tpu.memory_space<hbm>> -> memref<2048xf32, #tpu.memory_space<hbm>>
    tpu.enqueue_dma source(%arg16 : memref<2048xf32, #tpu.memory_space<vmem>>) target(%dma_start3A_10 : memref<2048xf32, #tpu.memory_space<hbm>>) target_semaphore(%arg18 : memref<!tpu.dma_semaphore, #tpu.memory_space<semaphore_mem>>)
    %dma_start3A_11 = tpu.memref_slice %arg9[%mul3A_2] : memref<16384xf32, #tpu.memory_space<hbm>> -> memref<2048xf32, #tpu.memory_space<hbm>>
    %dma_start3A_12 = tpu.memref_slice %arg9[%mul3A_2] : memref<16384xf32, #tpu.memory_space<hbm>> -> memref<2048xf32, #tpu.memory_space<hbm>>
    tpu.enqueue_dma source(%arg17 : memref<2048xf32, #tpu.memory_space<vmem>>) target(%dma_start3A_12 : memref<2048xf32, #tpu.memory_space<hbm>>) target_semaphore(%arg18 : memref<!tpu.dma_semaphore, #tpu.memory_space<semaphore_mem>>)
    %dma_wait3A_13 = tpu.memref_slice %arg7[%mul3A_2] : memref<16384xf32, #tpu.memory_space<hbm>> -> memref<2048xf32, #tpu.memory_space<hbm>>
    %dma_wait3A_14 = tpu.memref_slice %arg7[%mul3A_2] : memref<16384xf32, #tpu.memory_space<hbm>> -> memref<2048xf32, #tpu.memory_space<hbm>>
    tpu.wait_dma2 semaphore(%arg18 : memref<!tpu.dma_semaphore, #tpu.memory_space<semaphore_mem>>) src(%arg15 : memref<2048xf32, #tpu.memory_space<vmem>>) dst(%dma_wait3A_14 : memref<2048xf32, #tpu.memory_space<hbm>>)
    %dma_wait3A_15 = tpu.memref_slice %arg8[%mul3A_2] : memref<16384xf32, #tpu.memory_space<hbm>> -> memref<2048xf32, #tpu.memory_space<hbm>>
    %dma_wait3A_16 = tpu.memref_slice %arg8[%mul3A_2] : memref<16384xf32, #tpu.memory_space<hbm>> -> memref<2048xf32, #tpu.memory_space<hbm>>
    tpu.wait_dma2 semaphore(%arg18 : memref<!tpu.dma_semaphore, #tpu.memory_space<semaphore_mem>>) src(%arg16 : memref<2048xf32, #tpu.memory_space<vmem>>) dst(%dma_wait3A_16 : memref<2048xf32, #tpu.memory_space<hbm>>)
    %dma_wait3A_17 = tpu.memref_slice %arg9[%mul3A_2] : memref<16384xf32, #tpu.memory_space<hbm>> -> memref<2048xf32, #tpu.memory_space<hbm>>
    %dma_wait3A_18 = tpu.memref_slice %arg9[%mul3A_2] : memref<16384xf32, #tpu.memory_space<hbm>> -> memref<2048xf32, #tpu.memory_space<hbm>>
    tpu.wait_dma2 semaphore(%arg18 : memref<!tpu.dma_semaphore, #tpu.memory_space<semaphore_mem>>) src(%arg17 : memref<2048xf32, #tpu.memory_space<vmem>>) dst(%dma_wait3A_18 : memref<2048xf32, #tpu.memory_space<hbm>>)
    return
  }
}

</mosaic_0001>

<sc_bundles>
// kernel: kernel.3.cloned.1.call-start
scs
__scs_entry_jumppad:
0x0: {  	(pc) =	sbr.rel $0x88, $3  }
0x1: {  	(tag) =	ssettag $0x0;
	lr =	simm.s32 $0x1  }
0x2: {  	[smem:$0x3F9C] =	sst lr;
	_ =	strace $0xD0000000  }
0x3: {  	_ = 	snop  }
0x4: {  	_ = 	snop  }
0x5: {  	_ = 	snop  }
0x6: {  	_ = 	snop  }
0x7: {  	_ = 	snop  }
__scs_overlays_trampoline_lowered:
0x8: {  	[smem:$0x3FAB] =	sst s0  }
0x9: {  	[smem:$0x3FAC] =	sst s1  }
0xa: {  	[smem:$0x3FAD] =	sst s2  }
0xb: {  	[smem:$0x3FAE] =	sst s3  }
0xc: {  	[smem:$0x3FAF] =	sst s4  }
0xd: {  	[smem:$0x3FB0] =	sst s5  }
0xe: {  	[smem:$0x3FB1] =	sst s6  }
0xf: {  	[smem:$0x3FB2] =	sst s7  }
0x10: {  	[smem:$0x3FB3] =	sst s8  }
0x11: {  	[smem:$0x3FB4] =	sst s9;
	s0 =	simm.s32 @!p0 $0x0  }
0x12: {  	s1 =	sld [smem:$0x3F9A];
	s0 =	simm.s32 @p0 $0x1  }
0x13: {  	[smem:$0x3FB5] =	sst s0;
	s0 =	simm.s32 @!p1 $0x0  }
0x14: {  	s2 =	sld [smem:$0x3F99];
	s0 =	simm.s32 @p1 $0x1  }
0x15: {  	[smem:$0x3FB6] =	sst s0;
	s0 =	simm.s32 @!p2 $0x0  }
0x16: {  	s3 =	sld [smem:$0x3FDB];
	s0 =	simm.s32 @p2 $0x1  }
0x17: {  	s4 =	simm.s32 $0x1BF5;
	[smem:$0x3FB8] =	sst s0  }
0x18: {  	s0 =	sld [smem:$0x3F9B];
	_ =	swait.ge [sflag:s4], $0x0  }
0x19: {  	s7 =	sld [smem:$0x3F9C]  }
0x1a: {  	s8 =	sadd.s32 $0xFFFFE003, lr  }
0x1b: {  	s9 =	sadd.s32 $0xFFFFFEF7, lr;
	s5 =	simm.s32 $0xFFFFFFFF;
	p2 =	slt.u32 s8, $0xFFFFF086  }
0x1c: {  	p1 =	slt.u32 s9, $0xF7A;
	s5 =	simm.s32 @!p2 $0x0  }
0x1d: {  	s5 =	simm.s32 @p1 $0x1;
	p0 =	seq.s32 s7, s2  }
0x1e: {  	s7 =	smul.u32 @!p0 $0xF7A, s2;
	p2 =	seq.s32 @!p0 s5, $0x0  }
0x1f: {  	s9 =	smul.u32 $0xF7A, s1;
	s8 =	simm.s32 @!p0 $0x1BF5;
	p2 =	por !p2, p0  }
0x20: {  	[sflag:s8] =	ssyncset.s32 @!p0 $0xFFFFF086;
	s6 =	sadd.s32 @!p0 s3, s7;
	s7 =	simm.s32 @!p0 $0x108  }
0x21: {  	s3 =	sadd.s32 s3, s9;
	s6 =	sadd.s32 @!p0 $0x88, s6;
	s7 =	simm.s32 @p2 $0x1082  }
0x22: {  	[simem:s7], [sflag:s8] =	dma.local @!p0 [hbm:s6], $0xF7A  }
0x23: {  	s9 =	sor.u32 $0xD0000000, s2;
	s6 =	simm.s32 $0x108;
	_ =	swait.ge @!p0 [sflag:s8], $0x0  }
0x24: {  	s3 =	sadd.s32 $0x88, s3;
	s6 =	simm.s32 @!p1 $0x1082;
	[sflag:s4] =	ssyncset.s32 $0xFFFFF086  }
0x25: {  	[simem:s6], [sflag:s4] =	dma.local [hbm:s3], $0xF7A  }
0x26: {  	[smem:$0x3F9C] =	sst s1;
	(tag) =	ssettag s2;
	_ =	strace s9  }
0x27: {  	s1 =	sld [smem:$0x3FAC]  }
0x28: {  	s2 =	sld [smem:$0x3FAD]  }
0x29: {  	s4 =	sld [smem:$0x3FAF]  }
0x2a: {  	p0 =	seq.s32 s5, $0x0;
	s5 =	sld [smem:$0x3FB0]  }
0x2b: {  	s6 =	sld [smem:$0x3FB1]  }
0x2c: {  	s7 =	sld [smem:$0x3FB2]  }
0x2d: {  	s3 =	simm.s32 $0x108;
	s8 =	sld [smem:$0x3FB3]  }
0x2e: {  	s3 =	simm.s32 @!p0 $0x1082;
	s9 =	sld [smem:$0x3FB4]  }
0x2f: {  	lr =	sadd.s32 s0, s3;
	s0 =	sld [smem:$0x3FAB]  }
0x30: {  	s3 =	sld [smem:$0x3FAE]  }
0x31: {  	[smem:$0x3FB7] =	sst s10  }
0x32: {  	s10 =	sld [smem:$0x3FB5];
	_ =	sdelay $0x3  }
0x33: {  	p0 =	seq.s32 s10, $0x1;
	s10 =	sld [smem:$0x3FB7];
	_ =	sdelay $0x3  }
0x34: {  	[smem:$0x3FB7] =	sst s10  }
0x35: {  	s10 =	sld [smem:$0x3FB6];
	_ =	sdelay $0x3  }
0x36: {  	p1 =	seq.s32 s10, $0x1;
	s10 =	sld [smem:$0x3FB7];
	_ =	sdelay $0x3  }
0x37: {  	[smem:$0x3FB7] =	sst s10  }
0x38: {  	s10 =	sld [smem:$0x3FB8]  }
0x39: {  	_ = 	snop;
	(pc) =	sbr.ind lr, $3  }
0x3a: {  	_ = 	snop  }
0x3b: {  	_ = 	snop  }
0x3c: {  	p2 =	seq.s32 s10, $0x1;
	s10 =	sld [smem:$0x3FB7]  }
0x3d: {  	_ =	shalt  }
0x3e: {  	_ =	shalt  }
0x3f: {  	_ =	shalt  }
0x40: {  	_ =	shalt  }
0x41: {  	_ =	shalt  }
0x42: {  	_ =	shalt  }
0x43: {  	_ =	shalt  }
0x44: {  	_ =	shalt  }
0x45: {  	_ =	shalt  }
0x46: {  	_ =	shalt  }
0x47: {  	_ =	shalt  }
0x48: {  	_ =	shalt  }
0x49: {  	_ =	shalt  }
0x4a: {  	_ =	shalt  }
0x4b: {  	_ =	shalt  }
0x4c: {  	_ =	shalt  }
0x4d: {  	_ =	shalt  }
0x4e: {  	_ =	shalt  }
0x4f: {  	_ =	shalt  }
0x50: {  	_ =	shalt  }
0x51: {  	_ =	shalt  }
0x52: {  	_ =	shalt  }
0x53: {  	_ =	shalt  }
0x54: {  	_ =	shalt  }
0x55: {  	_ =	shalt  }
0x56: {  	_ =	shalt  }
0x57: {  	_ =	shalt  }
0x58: {  	_ =	shalt  }
0x59: {  	_ =	shalt  }
0x5a: {  	_ =	shalt  }
0x5b: {  	_ =	shalt  }
0x5c: {  	_ =	shalt  }
0x5d: {  	_ =	shalt  }
0x5e: {  	_ =	shalt  }
0x5f: {  	_ =	shalt  }
0x60: {  	_ =	shalt  }
0x61: {  	_ =	shalt  }
0x62: {  	_ =	shalt  }
0x63: {  	_ =	shalt  }
0x64: {  	_ =	shalt  }
0x65: {  	_ =	shalt  }
0x66: {  	_ =	shalt  }
0x67: {  	_ =	shalt  }
0x68: {  	_ =	shalt  }
0x69: {  	_ =	shalt  }
0x6a: {  	_ =	shalt  }
0x6b: {  	_ =	shalt  }
0x6c: {  	_ =	shalt  }
0x6d: {  	_ =	shalt  }
0x6e: {  	_ =	shalt  }
0x6f: {  	_ =	shalt  }
0x70: {  	_ =	shalt  }
0x71: {  	_ =	shalt  }
0x72: {  	_ =	shalt  }
0x73: {  	_ =	shalt  }
0x74: {  	_ =	shalt  }
0x75: {  	_ =	shalt  }
0x76: {  	_ =	shalt  }
0x77: {  	_ =	shalt  }
0x78: {  	_ =	shalt  }
0x79: {  	_ =	shalt  }
0x7a: {  	_ =	shalt  }
0x7b: {  	_ =	shalt  }
0x7c: {  	_ =	shalt  }
0x7d: {  	_ =	shalt  }
0x7e: {  	_ =	shalt  }
0x7f: {  	_ =	shalt  }
0x80: {  	_ =	shalt  }
0x81: {  	_ =	shalt  }
0x82: {  	_ =	shalt  }
0x83: {  	_ =	shalt  }
0x84: {  	_ =	shalt  }
0x85: {  	_ =	shalt  }
0x86: {  	_ =	shalt  }
0x87: {  	_ =	shalt  }
.Lfunc_end0:
.L_simem_size_0:
called_computation_lowered:
.L_overlay_start_0:
0x88: {  	s0 =	sld [smem:$0x3FD9]  }
0x89: {  	s1 =	sld [smem:$0x3FFE];
	_ =	sdelay $0x3  }
0x8a: {  	s0 =	sadd.s32 s1, s0  }
0x8b: {  	[smem:$0x3FC3] =	sst s0  }
0x8c: {  	_ = 	snop  }
0x8d: {  	s0 =	sld [smem:$0x3FC9]  }
0x8e: {  	s14 =	sld [smem:$0x3FC8]  }
0x8f: {  	s2 =	sld [smem:$0x3FD0]  }
0x90: {  	s3 =	sld [smem:$0x3FC7]  }
0x91: {  	s4 =	sld [smem:$0x3FC6]  }
0x92: {  	s6 =	simm.s32 $0xA;
	s7 =	simm.s32 $0x10;
	s5 =	sld [smem:$0x3FC5]  }
0x93: {  	[smem:s7], [sflag:s6] =	dma.local [hbm:s2], $0x1  }
0x94: {  	_ =	swait.eq [sflag:s6], $0x1  }
0x95: {  	s15 =	sld [smem:$0x10];
	[sflag:s6] =	ssyncset.done $0x0  }
0x96: {  	s16 =	sld [smem:$0x11];
	[sflag:s6] =	ssyncadd.s32 $0xFFFFFFFF  }
0x97: {  	s17 =	sld [smem:$0x12];
	(tm) =	ssettm $0x1  }
0x98: {  	s8 =	sld [smem:$0x3FFB];
	_ =	sdelay $0x3  }
0x99: {  	_ =	strace s8  }
0x9a: {  	s8 =	sld [smem:$0x3FFC];
	_ =	sdelay $0x3  }
0x9b: {  	_ =	strace s8  }
0x9c: {  	s8 =	sld [smem:$0x3FFD];
	_ =	sdelay $0x3  }
0x9d: {  	_ =	strace s8  }
0x9e: {  	_ =	strace $0x8FFFFFFF  }
0x9f: {  	s18 =	sld [smem:$0x3FDB];
	_ =	sdelay $0x1  }
0xa0: {  	s9 =	simm.s32 $_scs_section_size  }
0xa1: {  	s10 =	simm.s32 $_size__tile_overlayer_lowered;
	s11 =	simm.s32 $_tile_overlayer_lowered  }
0xa2: {  	s21 =	simm.s32 $0x1BFF;
	s20 =	sshll.u32 s11, $0x1;
	s8 =	sadd.s32 s9, s18  }
0xa3: {  	s12 =	simm.s32 $0x0;
	s19 =	sshll.u32 s10, $0x1;
	s10 =	sadd.s32 s20, s8  }
0xa4: {  	[timem:s12], [sflag:s21] =	dma.local [hbm:s10], s19  }
0xa5: {  	_ =	swait.ge [sflag:s21], s19  }
0xa6: {  	s9 =	ssub.s32 $0x0, s19;
	[sflag:s21] =	ssyncset.done $0x0  }
0xa7: {  	[sflag:s21] =	ssyncadd.s32 s9;
	_ =	sdelay $0x1  }
0xa8: {  	s22 =	simm.s32 $0x1B8B  }
0xa9: {  	_ =	swait.ge [sflag:s22], $0x1  }
0xaa: {  	[sflag:s22] =	ssyncset.done $0x0  }
0xab: {  	s23 =	simm.s32 $0x1B8E;
	[sflag:s22] =	ssyncadd.s32 $0xFFFFFFFF  }
0xac: {  	s24 =	simm.s32 $execute0_lowered;
	[smem:$0x3FD2] =	sst s23  }
0xad: {  	s9 =	sshll.u32 s24, $0x1;
	_ =	strace $0x80000046;
	[dreg:$0x1] =	wrdreg $0xFFFFFFFF  }
0xae: {  	s25 =	simm.s32 $_size_execute0_lowered;
	s8 =	sadd.s32 s8, s9;
	[dreg:$0x0] =	wrdreg $0x0  }
0xaf: {  	s9 =	sshll.u32 s25, $0x1;
	[dreg:$0x2] =	wrdreg s8  }
0xb0: {  	[dreg:$0x3] =	wrdreg s9  }
0xb1: {  	[dreg:$0x4] =	wrdreg $0xC0  }
0xb2: {  	_ =	task [dreg:s12], $0x5FFFF  }
0xb3: {  	[dreg:$0x1] =	wrdreg $0xFFFFFFFF  }
0xb4: {  	[dreg:$0x0] =	wrdreg $0x60  }
0xb5: {  	[dreg:$0x2] =	wrdreg s0  }
0xb6: {  	[dreg:$0x3] =	wrdreg s14  }
0xb7: {  	[dreg:$0x4] =	wrdreg s3  }
0xb8: {  	[dreg:$0x5] =	wrdreg s4  }
0xb9: {  	[dreg:$0x6] =	wrdreg s5  }
0xba: {  	[dreg:$0x7] =	wrdreg s15  }
0xbb: {  	[dreg:$0x8] =	wrdreg s16  }
0xbc: {  	[dreg:$0x9] =	wrdreg s17  }
0xbd: {  	[dreg:$0xa] =	wrdreg $0x9  }
0xbe: {  	_ =	task.clear_ibuf [dreg:s12], $0xBFFFF;
	_ =	strace $0x90000046  }
0xbf: {  	s26 =	simm.s32 $0x9;
	_ =	strace $0x80000048  }
0xc0: {  	_ =	swait.ge [sflag:s26], $0x1  }
0xc1: {  	[sflag:s26] =	ssyncadd.s32 $0xFFFFFFFF  }
0xc2: {  	_ =	strace $0x90000048  }
0xc3: {  	_ =	sfence  }
0xc4: {  	s28 =	sld [smem:$0x0];
	_ =	sdelay $0x1  }
0xc5: {  	s29 =	srdreg.scid  }
0xc6: {  	s30 =	sshll.u32 s29, $0xD;
	s31 =	sshrl.u32 s29, $0x2  }
0xc7: {  	s1 =	sand.u32 $0x1, s29;
	s2 =	sand.u32 $0x4000, s30;
	s0 =	sadd.s32 s31, s28  }
0xc8: {  	s1 =	sor.u32 s2, s1;
	s0 =	sshll.u32 s0, $0x11  }
0xc9: {  	s0 =	sor.u32 s0, s1  }
0xca: {  	s0 =	sadd.s32 $0x8F2B, s0  }
0xcb: {  	[sflag:s0] =	ssyncadd.remote.s32 $0x1  }
0xcc: {  	_ =	sfence.sel $0xFFFF  }
0xcd: {  	[dreg:$0x0] =	wrdreg $0xFFFFFFFF;
	(pc) =	sbr.abs _section_cstart, $3  }
0xce: {  	[dreg:$0x1] =	wrdreg $0xFFFFFFFF  }
0xcf: {  	_ =	task.clear_ibuf [dreg:s12], $0x2FFFF;
	_ =	strace $0x9FFFFFFF  }
0xd0: {  	(tm) =	ssettm $0x7FFFFFFF  }
0xd1: {  	_ =	shalt  }
tec
execute0_lowered:
.L_overlay_start_1:
0x0: {  	(tag) =	ssettag $0x1  }
0x1: {  	s5 =	rddreg [dreg:$0x0]  }
0x2: {  	s4 =	rddreg [dreg:$0x1]  }
0x3: {  	s2 =	rddreg [dreg:$0x2]  }
0x4: {  	s3 =	rddreg [dreg:$0x3];
	s1 =	stileid.u32  }
0x5: {  	s7 =	rddreg [dreg:$0x4];
	p0 =	sgt.u32 s1, $0x7  }
.Ltmp0:
0x6: {  	s6 =	rddreg [dreg:$0x5];
	(pc) =	sbr.rel @p0 .LBB2_4-.Ltmp0, $4  }
0x7: {  	s10 =	rddreg [dreg:$0x6]  }
0x8: {  	s8 =	rddreg [dreg:$0x7];
	s9 =	simm.s32 $0x0  }
0x9: {  	[smem:$0x7FF] =	sst s9  }
0xa: {  	s0 =	rddreg [dreg:$0x8];
	_ =	strace $0x80000047  }
0xb: {  	s13 =	sshll.u32 s1, $0x8  }
0xc: {  	s5 =	sadd.s32 s5, s13  }
0xd: {  	[tilespmem:s9], [sflag:$0x1] =	stream.linear.gather [hbm4b:s5+s9], $0x800, $0x38;
	[tilespmem:$0x2200] =	vst v63  }
0xe: {  	s5 =	simm.s32 $0x800  }
0xf: {  	[tilespmem:s5], [sflag:$0x1] =	stream.linear.gather [hbm4b:s4+s9], $0x80, $0x38;
	[tilespmem:$0x2200] =	vst v63  }
0x10: {  	s4 =	simm.s32 $0x880  }
0x11: {  	[tilespmem:s4], [sflag:$0x1] =	stream.linear.gather [hbm4b:s2+s9], $0x80, $0x38;
	[tilespmem:$0x2200] =	vst v63  }
0x12: {  	s2 =	simm.s32 $0x900  }
0x13: {  	[tilespmem:s2], [sflag:$0x1] =	stream.linear.gather [hbm4b:s3+s9], $0x80, $0x38;
	[tilespmem:$0x2200] =	vst v63  }
0x14: {  	s29 =	simm.s32 $0x1;
	s3 =	simm.s32 $0x980  }
0x15: {  	[tilespmem:s3], [sflag:$0x1] =	stream.linear.gather [hbm4b:s7+s9], $0x80, $0x38;
	[tilespmem:$0x2200] =	vst v63  }
0x16: {  	_ =	swait.ge [sflag:s29], $0x800  }
0x17: {  	[sflag:s29] =	ssyncset.done $0x0  }
0x18: {  	[sflag:s29] =	ssyncadd.s32 $0xFFFFF800  }
0x19: {  	_ =	swait.ge [sflag:s29], $0x80  }
0x1a: {  	[sflag:s29] =	ssyncset.done $0x0  }
0x1b: {  	[sflag:s29] =	ssyncadd.s32 $0xFFFFFF80  }
0x1c: {  	_ =	swait.ge [sflag:s29], $0x80  }
0x1d: {  	[sflag:s29] =	ssyncset.done $0x0  }
0x1e: {  	[sflag:s29] =	ssyncadd.s32 $0xFFFFFF80  }
0x1f: {  	_ =	swait.ge [sflag:s29], $0x80  }
0x20: {  	[sflag:s29] =	ssyncset.done $0x0  }
0x21: {  	[sflag:s29] =	ssyncadd.s32 $0xFFFFFF80  }
0x22: {  	_ =	swait.ge [sflag:s29], $0x80  }
0x23: {  	[sflag:s29] =	ssyncset.done $0x0  }
0x24: {  	s30 =	simm.s32 $0x20;
	[sflag:s29] =	ssyncadd.s32 $0xFFFFFF80  }
0x25: {  	v0 =	vld [tilespmem:s30+$0x10];
	_ =	sdelay $0x1  }
0x26: {  	v1 =	vld [tilespmem:s30+$0xFFFFFFE0];
	_ =	sdelay $0x3  }
0x27: {  	v3 =	vld [tilespmem:s30+$0x0]  }
0x28: {  	v2 =	vld [tilespmem:s30+$0xFFFFFFF0]  }
0x29: {  	s31 =	simm.s32 $0x60;
	v0 =	vld.idx.msk [tilespmem:v0+s5+$0x0], $0xffff  }
0x2a: {  	v5 =	vld [tilespmem:s31+$0xFFFFFFE0]  }
0x2b: {  	v1 =	vld.idx.msk [tilespmem:v1+s5+$0x0], $0xffff  }
0x2c: {  	v8 =	vld [tilespmem:s31+$0xFFFFFFF0]  }
0x2d: {  	v9 =	vld [tilespmem:s31+$0x10]  }
0x2e: {  	v11 =	vld [tilespmem:s31+$0x0]  }
0x2f: {  	v3 =	vld.idx.msk [tilespmem:v3+s5+$0x0], $0xffff  }
0x30: {  	v2 =	vld.idx.msk [tilespmem:v2+s5+$0x0], $0xffff  }
0x31: {  	v10 =	vld.idx.msk [tilespmem:v0+s2+$0x0], $0xffff  }
0x32: {  	v12 =	vld.idx.msk [tilespmem:v0+s3+$0x0], $0xffff  }
0x33: {  	v13 =	vld.idx.msk [tilespmem:v1+s2+$0x0], $0xffff  }
0x34: {  	v14 =	vld.idx.msk [tilespmem:v1+s3+$0x0], $0xffff  }
0x35: {  	v1 =	vld.idx.msk [tilespmem:v1+s4+$0x0], $0xffff  }
0x36: {  	v15 =	vld.idx.msk [tilespmem:v0+s4+$0x0], $0xffff  }
0x37: {  	v0 =	vld.idx.msk [tilespmem:v3+s2+$0x0], $0xffff  }
0x38: {  	v16 =	vld.idx.msk [tilespmem:v3+s3+$0x0], $0xffff  }
0x39: {  	v4 =	vld.idx.msk [tilespmem:v2+s2+$0x0], $0xffff  }
0x3a: {  	v17 =	vld.idx.msk [tilespmem:v3+s4+$0x0], $0xffff  }
0x3b: {  	s12 =	simm.s32 $0xA20;
	v6 =	vld.idx.msk [tilespmem:v2+s4+$0x0], $0xffff;
	v1 =	vmax.f32 v1, $0.0e+00  }
0x3c: {  	v7 =	vld.idx.msk [tilespmem:v2+s3+$0x0], $0xffff;
	[tilespmem:s12+$0xFFFFFFE0] =	vst v1;
	v1 =	vmax.f32 v15, $0.0e+00  }
0x3d: {  	s9 =	simm.s32 $0x1220;
	v3 =	vld.idx.msk [tilespmem:v9+s5+$0x0], $0xffff;
	v2 =	vmax.f32 v12, $0.0e+00;
	v9 =	vmax.f32 v13, $0.0e+00;
	[tilespmem:s12+$0x10] =	vst v1  }
0x3e: {  	s11 =	simm.s32 $0x1A20;
	s15 =	simm.s32 $0x4;
	s16 =	simm.s32 $0xA0;
	v5 =	vld.idx.msk [tilespmem:v5+s5+$0x0], $0xffff;
	v2 =	vmul.f32 $2.000000000e+01, v2;
	v1 =	vmax.f32 v10, $0.0e+00;
	v10 =	vmax.f32 v14, $0.0e+00;
	[tilespmem:s9+$0xFFFFFFE0] =	vst v9  }
0x3f: {  	s14 =	simm.s32 $0x1220;
	s8 =	sadd.s32 s8, s13;
	s7 =	sadd.s32 s6, s13;
	[tilespmem:s9+$0x10] =	vst v1;
	v1 =	vld.idx.msk [tilespmem:v8+s5+$0x0], $0xffff;
	v10 =	vmul.f32 $2.000000000e+01, v10  }
0x40: {  	s6 =	sadd.s32 s10, s13;
	s10 =	simm.s32 $0xA60;
	s13 =	simm.s32 $0x1A20;
	v9 =	vmax.f32 v17, $0.0e+00;
	v8 =	vmax.f32 v16, $0.0e+00;
	[tilespmem:s11+$0x10] =	vst v2;
	v2 =	vld.idx.msk [tilespmem:v11+s5+$0x0], $0xffff  }
.LBB2_2:
0x41: {  	v11 =	vld [tilespmem:s16+$0xFFFFFFE0];
	s15 =	sadd.s32 $0x4, s15;
	[tilespmem:s11+$0xFFFFFFE0] =	vst v10;
	s13 =	sadd.s32 $0x40, s13;
	s9 =	sadd.s32 $0x40, s9  }
0x42: {  	v6 =	vmax.f32 v6, $0.0e+00;
	v7 =	vmax.f32 v7, $0.0e+00;
	v10 =	vld [tilespmem:s16+$0xFFFFFFF0];
	p0 =	slt.u32 s15, $0x7C;
	[tilespmem:s12+$0x0] =	vst v9  }
0x43: {  	v4 =	vmax.f32 v4, $0.0e+00;
	v9 =	vld [tilespmem:s16+$0x10];
	[tilespmem:s12+$0xFFFFFFF0] =	vst v6;
	v6 =	vmul.f32 $2.000000000e+01, v7;
	v7 =	vmul.f32 $2.000000000e+01, v8;
	s12 =	smov.u32 s10  }
0x44: {  	v0 =	vmax.f32 v0, $0.0e+00;
	v12 =	vld [tilespmem:s16+$0x0];
	[tilespmem:s14+$0xFFFFFFF0] =	vst v4  }
0x45: {  	v8 =	vld.idx.msk [tilespmem:v3+s2+$0x0], $0xffff;
	[tilespmem:s11+$0xFFFFFFF0] =	vst v6  }
0x46: {  	v13 =	vld.idx.msk [tilespmem:v3+s3+$0x0], $0xffff;
	[tilespmem:s14+$0x0] =	vst v0;
	s14 =	smov.u32 s9  }
0x47: {  	v6 =	vld.idx.msk [tilespmem:v5+s2+$0x0], $0xffff;
	[tilespmem:s11+$0x0] =	vst v7;
	s11 =	smov.u32 s13  }
0x48: {  	v7 =	vld.idx.msk [tilespmem:v5+s3+$0x0], $0xffff  }
0x49: {  	v5 =	vld.idx.msk [tilespmem:v5+s4+$0x0], $0xffff  }
0x4a: {  	v3 =	vld.idx.msk [tilespmem:v3+s4+$0x0], $0xffff  }
0x4b: {  	v0 =	vld.idx.msk [tilespmem:v2+s2+$0x0], $0xffff  }
0x4c: {  	v14 =	vld.idx.msk [tilespmem:v2+s3+$0x0], $0xffff  }
0x4d: {  	v4 =	vld.idx.msk [tilespmem:v1+s2+$0x0], $0xffff  }
0x4e: {  	v15 =	vmax.f32 v6, $0.0e+00;
	v16 =	vmax.f32 v7, $0.0e+00;
	v17 =	vld.idx.msk [tilespmem:v2+s4+$0x0], $0xffff  }
0x4f: {  	v2 =	vmax.f32 v5, $0.0e+00;
	v6 =	vld.idx.msk [tilespmem:v1+s4+$0x0], $0xffff  }
.Ltmp1:
0x50: {  	[tilespmem:s10+$0xFFFFFFE0] =	vst v2;
	v7 =	vld.idx.msk [tilespmem:v1+s3+$0x0], $0xffff;
	v1 =	vmax.f32 v3, $0.0e+00;
	v2 =	vmax.f32 v13, $0.0e+00;
	(pc) =	sbr.rel @p0 .LBB2_2-.Ltmp1, $4  }
0x51: {  	v3 =	vld.idx.msk [tilespmem:v9+s5+$0x0], $0xffff;
	[tilespmem:s10+$0x10] =	vst v1;
	v1 =	vmax.f32 v8, $0.0e+00;
	v2 =	vmul.f32 $2.000000000e+01, v2  }
0x52: {  	v8 =	vmax.f32 v14, $0.0e+00;
	v5 =	vld.idx.msk [tilespmem:v11+s5+$0x0], $0xffff;
	[tilespmem:s9+$0x10] =	vst v1  }
0x53: {  	v1 =	vld.idx.msk [tilespmem:v10+s5+$0x0], $0xffff;
	v10 =	vmul.f32 $2.000000000e+01, v16;
	[tilespmem:s13+$0x10] =	vst v2  }
0x54: {  	s16 =	sadd.s32 $0x40, s16;
	s10 =	sadd.s32 $0x40, s10;
	v9 =	vmax.f32 v17, $0.0e+00;
	v2 =	vld.idx.msk [tilespmem:v12+s5+$0x0], $0xffff;
	[tilespmem:s9+$0xFFFFFFE0] =	vst v15  }
0x55: {  	_ =	sdelay $0x4  }
0x56: {  	[tilespmem:s11+$0xFFFFFFE0] =	vst v10;
	v40 =	vld.idx.msk [tilespmem:v3+s3+$0x0], $0xffff  }
0x57: {  	v6 =	vmax.f32 v6, $0.0e+00;
	[tilespmem:s12+$0x0] =	vst v9;
	v43 =	vld.idx.msk [tilespmem:v3+s4+$0x0], $0xffff  }
0x58: {  	v0 =	vmax.f32 v0, $0.0e+00;
	[tilespmem:s12+$0xFFFFFFF0] =	vst v6;
	v41 =	vld.idx.msk [tilespmem:v5+s4+$0x0], $0xffff  }
0x59: {  	v7 =	vmax.f32 v7, $0.0e+00;
	v4 =	vmax.f32 v4, $0.0e+00;
	v45 =	vmul.f32 $2.000000000e+01, v8;
	v44 =	vld.idx.msk [tilespmem:v3+s2+$0x0], $0xffff;
	[tilespmem:s14+$0x0] =	vst v0  }
0x5a: {  	v42 =	vmul.f32 $2.000000000e+01, v7;
	[tilespmem:s14+$0xFFFFFFF0] =	vst v4;
	v46 =	vld.idx.msk [tilespmem:v5+s3+$0x0], $0xffff  }
0x5b: {  	v47 =	vld.idx.msk [tilespmem:v5+s2+$0x0], $0xffff;
	[tilespmem:s11+$0x0] =	vst v45  }
0x5c: {  	[tilespmem:s11+$0xFFFFFFF0] =	vst v42;
	v50 =	vld.idx.msk [tilespmem:v1+s4+$0x0], $0xffff;
	v51 =	vmax.f32 v43, $0.0e+00  }
0x5d: {  	v53 =	vld.idx.msk [tilespmem:v1+s3+$0x0], $0xffff;
	v52 =	vmax.f32 v40, $0.0e+00;
	v49 =	vmax.f32 v41, $0.0e+00;
	[tilespmem:s10+$0x10] =	vst v51  }
0x5e: {  	s25 =	sadd.s32 $0x40, s9;
	v48 =	vld.idx.msk [tilespmem:v2+s4+$0x0], $0xffff;
	v3 =	vmax.f32 v44, $0.0e+00;
	v54 =	vmul.f32 $2.000000000e+01, v52;
	[tilespmem:s10+$0xFFFFFFE0] =	vst v49  }
0x5f: {  	s5 =	sadd.s32 $0x40, s13;
	v55 =	vld.idx.msk [tilespmem:v1+s2+$0x0], $0xffff;
	[tilespmem:s25+$0x10] =	vst v3  }
0x60: {  	v56 =	vld.idx.msk [tilespmem:v2+s3+$0x0], $0xffff;
	v6 =	vmax.f32 v46, $0.0e+00;
	v0 =	vmax.f32 v47, $0.0e+00;
	[tilespmem:s5+$0x10] =	vst v54  }
0x61: {  	v57 =	vld.idx.msk [tilespmem:v2+s2+$0x0], $0xffff;
	v6 =	vmul.f32 $2.000000000e+01, v6;
	v59 =	vmax.f32 v50, $0.0e+00;
	[tilespmem:s25+$0xFFFFFFE0] =	vst v0  }
0x62: {  	[tilespmem:s10+$0xFFFFFFF0] =	vst v59  }
0x63: {  	v60 =	vmax.f32 v53, $0.0e+00;
	v58 =	vmax.f32 v48, $0.0e+00;
	[tilespmem:s5+$0xFFFFFFE0] =	vst v6  }
0x64: {  	v61 =	vmax.f32 v55, $0.0e+00;
	v62 =	vmul.f32 $2.000000000e+01, v60;
	[tilespmem:s10+$0x0] =	vst v58  }
0x65: {  	v3 =	vmax.f32 v56, $0.0e+00;
	[tilespmem:s25+$0xFFFFFFF0] =	vst v61  }
0x66: {  	v2 =	vmax.f32 v57, $0.0e+00;
	v63 =	vmul.f32 $2.000000000e+01, v3;
	[tilespmem:s5+$0xFFFFFFF0] =	vst v62  }
0x67: {  	[tilespmem:s25+$0x0] =	vst v2  }
0x68: {  	s26 =	simm.s32 $0x0;
	s28 =	simm.s32 $0xA00;
	[tilespmem:s5+$0x0] =	vst v63  }
0x69: {  	[hbm4b:s7+s26] =	stream.linear.scatter [tilespmem:s28], [sflag:$0x1], $0x800, $0x38;
	[tilespmem:$0x2200] =	vst v63  }
0x6a: {  	s29 =	simm.s32 $0x1200  }
0x6b: {  	[hbm4b:s6+s26] =	stream.linear.scatter [tilespmem:s29], [sflag:$0x1], $0x800, $0x38;
	[tilespmem:$0x2200] =	vst v63  }
0x6c: {  	s30 =	simm.s32 $0x1A00;
	s31 =	simm.s32 $0x1  }
0x6d: {  	[hbm4b:s8+s26] =	stream.linear.scatter [tilespmem:s30], [sflag:$0x1], $0x800, $0x38;
	[tilespmem:$0x2200] =	vst v63  }
0x6e: {  	_ =	swait.ge [sflag:s31], $0x800  }
0x6f: {  	[sflag:s31] =	ssyncset.done $0x0  }
0x70: {  	[sflag:s31] =	ssyncadd.s32 $0xFFFFF800  }
0x71: {  	_ =	swait.ge [sflag:s31], $0x800  }
0x72: {  	[sflag:s31] =	ssyncset.done $0x0  }
0x73: {  	[sflag:s31] =	ssyncadd.s32 $0xFFFFF800  }
0x74: {  	_ =	swait.ge [sflag:s31], $0x800  }
0x75: {  	[sflag:s31] =	ssyncset.done $0x0  }
0x76: {  	[sflag:s31] =	ssyncadd.s32 $0xFFFFF800  }
.LBB2_4:
0x77: {  	_ =	sfence.sel $0x180000  }
0x78: {  	[bflag:$0x0] =	sbarrier.arrive $0xFFFF  }
0x79: {  	p0 =	sne.s32 s1, $0x0;
	_ =	strace $0x90000047  }
0x7a: {  	s0 =	sadd.s32 @!p0 $0x100000, s0;
	[bflag:$0x2] =	sbarrier.arrive $0xFFFF  }
0x7b: {  	[sflag:s0] =	ssyncadd.tile.s32 @!p0 $0x1;
	_ =	shalt  }
.Lfunc_end2:
_tile_overlayer_lowered:
.L_overlay_start_2:
0x7c: {  	(tag) =	ssettag $0x2  }
0x7d: {  	s0 =	rddreg [dreg:$0x0];
	s2 =	stileid.u32  }
0x7e: {  	s1 =	rddreg [dreg:$0x1];
	p0 =	sne.s32 s2, $0x0  }
0x7f: {  	s3 =	rddreg [dreg:$0x2];
	[bflag:$0x3] =	sbarrier.arrive $0xFFFF;
	s2 =	simm.s32 @!p0 $0x1C02  }
0x80: {  	[timem:s3], [sflag:s2] =	dma.local @!p0 [hbm:s0], s1  }
0x81: {  	s0 =	simm.s32 @!p0 $0x2  }
0x82: {  	_ =	swait.ge @!p0 [sflag:s0], s1  }
0x83: {  	s1 =	ssub.s32 @!p0 $0x0, s1;
	[sflag:s0] =	ssyncset.done @!p0 $0x0  }
0x84: {  	[sflag:s0] =	ssyncadd.s32 @!p0 s1  }
0x85: {  	[bflag:$0x3] =	sbarrier.arrive $0xFFFF  }
0x86: {  	_ =	shalt  }

</sc_bundles>
